<compile_context>
chip_gen: v7x
topology: tpu7x:2x2x1
jax: 0.10.2.dev20260603
libtpu: 0.0.44.dev20260713+nightly
codegen_flags: <defaults>
</compile_context>

<pallas_src>
import functools

import jax
import jax.numpy as jnp
from jax import lax
from jax.experimental import pallas as pl
from jax.experimental.pallas import tpu as pltpu
from jax.experimental.pallas import tpu_sc as plsc

_N = 4096
_R = 64
_E = 64
_L = 16


@jax.jit
def _embed_concat(x, info, table):
    sc = plsc.get_sparse_core_info()
    nc, ns = sc.num_cores, sc.num_subcores
    nw = nc * ns
    b = _N // nw

    table2 = table.reshape(-1, 2 * _E)

    mesh = plsc.VectorSubcoreMesh(core_axis_name="c", subcore_axis_name="s")

    @functools.partial(
        pl.kernel,
        mesh=mesh,
        out_type=jax.ShapeDtypeStruct((_N, _E + _R), jnp.float32),
        scratch_types=[
            pltpu.VMEM((b,), jnp.int32),
            pltpu.VMEM((b,), jnp.int32),
            pltpu.VMEM((b, 2 * _E), jnp.float32),
            pltpu.VMEM((b, _R), jnp.float32),
            pltpu.VMEM((b, _E + _R), jnp.float32),
            pltpu.SemaphoreType.DMA,
        ],
        compiler_params=pltpu.CompilerParams(needs_layout_passes=False),
    )
    def k(x_hbm, idx_hbm, table2_hbm, out_hbm,
          idx_v, jdx_v, emb2_v, x_v, out_v, gsem):
        wid = lax.axis_index("s") * nc + lax.axis_index("c")
        base = wid * b

        pltpu.sync_copy(idx_hbm.at[pl.ds(base, b)], idx_v)

        def halve(t, _):
            v = idx_v[pl.ds(t * _L, _L)]
            jdx_v[pl.ds(t * _L, _L)] = lax.shift_right_logical(v, 1)
            return _

        lax.fori_loop(0, b // _L, halve, 0, unroll=True)

        gather = pltpu.async_copy(table2_hbm.at[jdx_v], emb2_v, gsem)
        pltpu.sync_copy(x_hbm.at[pl.ds(base, b)], x_v)
        gather.wait()

        iota = lax.iota(jnp.int32, _L)
        col_chunks = [c * _L + iota for c in range(_E // _L)]

        def assemble(i, _):
            rowi = jnp.full((_L,), i, jnp.int32)
            vi = plsc.load_gather(idx_v, [rowi])
            off = lax.shift_left(jnp.bitwise_and(vi, 1), 6)
            for t in range(_E // _L):
                val = plsc.load_gather(emb2_v, [rowi, off + col_chunks[t]])
                out_v[i, pl.ds(t * _L, _L)] = val
                out_v[i, pl.ds(_E + t * _L, _L)] = x_v[i, pl.ds(t * _L, _L)]
            return _

        lax.fori_loop(0, b, assemble, 0)

        pltpu.sync_copy(out_v, out_hbm.at[pl.ds(base, b)])

    return k(x, info.astype(jnp.int32), table2)


def kernel(x, info, table):
    return _embed_concat(x, info, table)

# --- scband reference (transcript-rebuilt; emitter-appended) ---
"""Pipeline reference for scband-categorical-embedding-68839735820476 (READ-ONLY COPY).

The authoritative reference and input builder live on the scoring server;
editing this copy changes nothing except your own understanding.
"""

import jax, jax.numpy as jnp
import numpy as np


def setup_inputs(seed: int = 0) -> dict:
    key = jax.random.key(seed)
    k_x, k_info, k_tab = jax.random.split(key, 3)
    x = jax.random.normal(k_x, (4096, 64), dtype=jnp.float32)
    info = jax.random.randint(k_info, (4096,), 0, 100000, dtype=jnp.int64 if jax.config.jax_enable_x64 else jnp.int32)
    table = jax.random.normal(k_tab, (100000, 64), dtype=jnp.float32) * 0.02
    return {"x": x, "info": info, "table": table}


def reference(x, info, table):
    # CategoricalEmbedding.forward, 2D branch: embed lookup then concat at the front
    info_embed = jnp.take(table, info, axis=0)  # (N, embed_size)
    out = jnp.concatenate([info_embed, x], axis=-1)  # (N, embed_size + R)
    return out

if __name__ == "__main__":
    import jax
    _d = setup_inputs()
    print(jax.jit(kernel)(*tuple(_d.values())))

</pallas_src>

<mosaic_0001>
#map = affine_map<(d0, d1) -> (0, 0)>
#map1 = affine_map<(d0, d1) -> (0)>
module attributes {stable_mosaic.version = 14 : i64} {
  func.func @k(%arg0: i32, %arg1: i32, %arg2: memref<4096x64xf32, #tpu.memory_space<hbm>>, %arg3: memref<4096xi32, #tpu.memory_space<hbm>>, %arg4: memref<50000x128xf32, #tpu.memory_space<hbm>>, %arg5: memref<4096x128xf32, #tpu.memory_space<hbm>>, %arg6: memref<128xi32, #tpu.memory_space<vmem>>, %arg7: memref<128xi32, #tpu.memory_space<vmem>>, %arg8: memref<128x128xf32, #tpu.memory_space<vmem>>, %arg9: memref<128x64xf32, #tpu.memory_space<vmem>>, %arg10: memref<128x128xf32, #tpu.memory_space<vmem>>, %arg11: memref<!tpu.dma_semaphore, #tpu.memory_space<semaphore_mem>>) attributes {dimension_semantics = [#tpu.dimension_semantics<core_parallel>, #tpu.dimension_semantics<subcore_parallel>], iteration_bounds = array<i64: 2, 16>, scalar_prefetch = 0 : i64, scratch_operands = 6 : i64, tpu.core_type = #tpu.core_type<sc_vector_subcore>, window_params = [{transform_indices = #map}, {transform_indices = #map1}, {transform_indices = #map}, {transform_indices = #map}]} {
    %mul3A = arith.constant 2 : i32
    %mul3A_0 = arith.muli %arg1, %mul3A : i32
    %add3A = arith.addi %mul3A_0, %arg0 : i32
    %mul3A_1 = arith.constant 128 : i32
    %mul3A_2 = arith.muli %add3A, %mul3A_1 : i32
    "tpu.region"() ({
      %run_scoped3A = tpu.sem_alloc : memref<!tpu.dma_semaphore, #tpu.memory_space<semaphore_mem>>
      %dma_start3A_119 = tpu.memref_slice %arg3[%mul3A_2] : memref<4096xi32, #tpu.memory_space<hbm>> -> memref<128xi32, #tpu.memory_space<hbm>>
      %dma_start3A_120 = tpu.memref_slice %arg3[%mul3A_2] : memref<4096xi32, #tpu.memory_space<hbm>> -> memref<128xi32, #tpu.memory_space<hbm>>
      tpu.enqueue_dma source(%dma_start3A_120 : memref<128xi32, #tpu.memory_space<hbm>>) target(%arg6 : memref<128xi32, #tpu.memory_space<vmem>>) target_semaphore(%run_scoped3A : memref<!tpu.dma_semaphore, #tpu.memory_space<semaphore_mem>>)
      %dma_wait3A_121 = tpu.memref_slice %arg3[%mul3A_2] : memref<4096xi32, #tpu.memory_space<hbm>> -> memref<128xi32, #tpu.memory_space<hbm>>
      %dma_wait3A_122 = tpu.memref_slice %arg3[%mul3A_2] : memref<4096xi32, #tpu.memory_space<hbm>> -> memref<128xi32, #tpu.memory_space<hbm>>
      tpu.wait_dma2 semaphore(%run_scoped3A : memref<!tpu.dma_semaphore, #tpu.memory_space<semaphore_mem>>) src(%dma_wait3A_122 : memref<128xi32, #tpu.memory_space<hbm>>) dst(%arg6 : memref<128xi32, #tpu.memory_space<vmem>>)
      tpu.yield
    }) : () -> ()
    %scan3A = arith.constant 0 : i32
    %scan3A_3 = arith.constant 0 : i32
    %mul3A_4 = arith.constant 16 : i32
    %mul3A_5 = arith.muli %scan3A_3, %mul3A_4 : i32
    %get3A = arith.index_cast %mul3A_5 : i32 to index
    %get3A_6 = tpu.vector_load %arg6[%get3A] {strides = array<i32>} : memref<128xi32, #tpu.memory_space<vmem>>, vector<16xi32>,
    %shift_right_logical3A = arith.constant 1 : i32
    %shift_right_logical3A_7 = vector.broadcast %shift_right_logical3A : i32 to vector<16xi32>
    %shift_right_logical3A_8 = arith.shrui %get3A_6, %shift_right_logical3A_7 : vector<16xi32>
    %mul3A_9 = arith.constant 16 : i32
    %mul3A_10 = arith.muli %scan3A_3, %mul3A_9 : i32
    %swap3A = arith.index_cast %mul3A_10 : i32 to index
    %swap3A_11 = tpu.vector_load %arg7[%swap3A] {strides = array<i32>} : memref<128xi32, #tpu.memory_space<vmem>>, vector<16xi32>,
    tpu.vector_store %arg7[%swap3A], %shift_right_logical3A_8 {strides = array<i32>} : memref<128xi32, #tpu.memory_space<vmem>>, vector<16xi32>,
    %scan3A_12 = arith.constant 1 : i32
    %mul3A_13 = arith.constant 16 : i32
    %mul3A_14 = arith.muli %scan3A_12, %mul3A_13 : i32
    %get3A_15 = arith.index_cast %mul3A_14 : i32 to index
    %get3A_16 = tpu.vector_load %arg6[%get3A_15] {strides = array<i32>} : memref<128xi32, #tpu.memory_space<vmem>>, vector<16xi32>,
    %shift_right_logical3A_17 = arith.constant 1 : i32
    %shift_right_logical3A_18 = vector.broadcast %shift_right_logical3A_17 : i32 to vector<16xi32>
    %shift_right_logical3A_19 = arith.shrui %get3A_16, %shift_right_logical3A_18 : vector<16xi32>
    %mul3A_20 = arith.constant 16 : i32
    %mul3A_21 = arith.muli %scan3A_12, %mul3A_20 : i32
    %swap3A_22 = arith.index_cast %mul3A_21 : i32 to index
    %swap3A_23 = tpu.vector_load %arg7[%swap3A_22] {strides = array<i32>} : memref<128xi32, #tpu.memory_space<vmem>>, vector<16xi32>,
    tpu.vector_store %arg7[%swap3A_22], %shift_right_logical3A_19 {strides = array<i32>} : memref<128xi32, #tpu.memory_space<vmem>>, vector<16xi32>,
    %scan3A_24 = arith.constant 2 : i32
    %mul3A_25 = arith.constant 16 : i32
    %mul3A_26 = arith.muli %scan3A_24, %mul3A_25 : i32
    %get3A_27 = arith.index_cast %mul3A_26 : i32 to index
    %get3A_28 = tpu.vector_load %arg6[%get3A_27] {strides = array<i32>} : memref<128xi32, #tpu.memory_space<vmem>>, vector<16xi32>,
    %shift_right_logical3A_29 = arith.constant 1 : i32
    %shift_right_logical3A_30 = vector.broadcast %shift_right_logical3A_29 : i32 to vector<16xi32>
    %shift_right_logical3A_31 = arith.shrui %get3A_28, %shift_right_logical3A_30 : vector<16xi32>
    %mul3A_32 = arith.constant 16 : i32
    %mul3A_33 = arith.muli %scan3A_24, %mul3A_32 : i32
    %swap3A_34 = arith.index_cast %mul3A_33 : i32 to index
    %swap3A_35 = tpu.vector_load %arg7[%swap3A_34] {strides = array<i32>} : memref<128xi32, #tpu.memory_space<vmem>>, vector<16xi32>,
    tpu.vector_store %arg7[%swap3A_34], %shift_right_logical3A_31 {strides = array<i32>} : memref<128xi32, #tpu.memory_space<vmem>>, vector<16xi32>,
    %scan3A_36 = arith.constant 3 : i32
    %mul3A_37 = arith.constant 16 : i32
    %mul3A_38 = arith.muli %scan3A_36, %mul3A_37 : i32
    %get3A_39 = arith.index_cast %mul3A_38 : i32 to index
    %get3A_40 = tpu.vector_load %arg6[%get3A_39] {strides = array<i32>} : memref<128xi32, #tpu.memory_space<vmem>>, vector<16xi32>,
    %shift_right_logical3A_41 = arith.constant 1 : i32
    %shift_right_logical3A_42 = vector.broadcast %shift_right_logical3A_41 : i32 to vector<16xi32>
    %shift_right_logical3A_43 = arith.shrui %get3A_40, %shift_right_logical3A_42 : vector<16xi32>
    %mul3A_44 = arith.constant 16 : i32
    %mul3A_45 = arith.muli %scan3A_36, %mul3A_44 : i32
    %swap3A_46 = arith.index_cast %mul3A_45 : i32 to index
    %swap3A_47 = tpu.vector_load %arg7[%swap3A_46] {strides = array<i32>} : memref<128xi32, #tpu.memory_space<vmem>>, vector<16xi32>,
    tpu.vector_store %arg7[%swap3A_46], %shift_right_logical3A_43 {strides = array<i32>} : memref<128xi32, #tpu.memory_space<vmem>>, vector<16xi32>,
    %scan3A_48 = arith.constant 4 : i32
    %mul3A_49 = arith.constant 16 : i32
    %mul3A_50 = arith.muli %scan3A_48, %mul3A_49 : i32
    %get3A_51 = arith.index_cast %mul3A_50 : i32 to index
    %get3A_52 = tpu.vector_load %arg6[%get3A_51] {strides = array<i32>} : memref<128xi32, #tpu.memory_space<vmem>>, vector<16xi32>,
    %shift_right_logical3A_53 = arith.constant 1 : i32
    %shift_right_logical3A_54 = vector.broadcast %shift_right_logical3A_53 : i32 to vector<16xi32>
    %shift_right_logical3A_55 = arith.shrui %get3A_52, %shift_right_logical3A_54 : vector<16xi32>
    %mul3A_56 = arith.constant 16 : i32
    %mul3A_57 = arith.muli %scan3A_48, %mul3A_56 : i32
    %swap3A_58 = arith.index_cast %mul3A_57 : i32 to index
    %swap3A_59 = tpu.vector_load %arg7[%swap3A_58] {strides = array<i32>} : memref<128xi32, #tpu.memory_space<vmem>>, vector<16xi32>,
    tpu.vector_store %arg7[%swap3A_58], %shift_right_logical3A_55 {strides = array<i32>} : memref<128xi32, #tpu.memory_space<vmem>>, vector<16xi32>,
    %scan3A_60 = arith.constant 5 : i32
    %mul3A_61 = arith.constant 16 : i32
    %mul3A_62 = arith.muli %scan3A_60, %mul3A_61 : i32
    %get3A_63 = arith.index_cast %mul3A_62 : i32 to index
    %get3A_64 = tpu.vector_load %arg6[%get3A_63] {strides = array<i32>} : memref<128xi32, #tpu.memory_space<vmem>>, vector<16xi32>,
    %shift_right_logical3A_65 = arith.constant 1 : i32
    %shift_right_logical3A_66 = vector.broadcast %shift_right_logical3A_65 : i32 to vector<16xi32>
    %shift_right_logical3A_67 = arith.shrui %get3A_64, %shift_right_logical3A_66 : vector<16xi32>
    %mul3A_68 = arith.constant 16 : i32
    %mul3A_69 = arith.muli %scan3A_60, %mul3A_68 : i32
    %swap3A_70 = arith.index_cast %mul3A_69 : i32 to index
    %swap3A_71 = tpu.vector_load %arg7[%swap3A_70] {strides = array<i32>} : memref<128xi32, #tpu.memory_space<vmem>>, vector<16xi32>,
    tpu.vector_store %arg7[%swap3A_70], %shift_right_logical3A_67 {strides = array<i32>} : memref<128xi32, #tpu.memory_space<vmem>>, vector<16xi32>,
    %scan3A_72 = arith.constant 6 : i32
    %mul3A_73 = arith.constant 16 : i32
    %mul3A_74 = arith.muli %scan3A_72, %mul3A_73 : i32
    %get3A_75 = arith.index_cast %mul3A_74 : i32 to index
    %get3A_76 = tpu.vector_load %arg6[%get3A_75] {strides = array<i32>} : memref<128xi32, #tpu.memory_space<vmem>>, vector<16xi32>,
    %shift_right_logical3A_77 = arith.constant 1 : i32
    %shift_right_logical3A_78 = vector.broadcast %shift_right_logical3A_77 : i32 to vector<16xi32>
    %shift_right_logical3A_79 = arith.shrui %get3A_76, %shift_right_logical3A_78 : vector<16xi32>
    %mul3A_80 = arith.constant 16 : i32
    %mul3A_81 = arith.muli %scan3A_72, %mul3A_80 : i32
    %swap3A_82 = arith.index_cast %mul3A_81 : i32 to index
    %swap3A_83 = tpu.vector_load %arg7[%swap3A_82] {strides = array<i32>} : memref<128xi32, #tpu.memory_space<vmem>>, vector<16xi32>,
    tpu.vector_store %arg7[%swap3A_82], %shift_right_logical3A_79 {strides = array<i32>} : memref<128xi32, #tpu.memory_space<vmem>>, vector<16xi32>,
    %scan3A_84 = arith.constant 7 : i32
    %mul3A_85 = arith.constant 16 : i32
    %mul3A_86 = arith.muli %scan3A_84, %mul3A_85 : i32
    %get3A_87 = arith.index_cast %mul3A_86 : i32 to index
    %get3A_88 = tpu.vector_load %arg6[%get3A_87] {strides = array<i32>} : memref<128xi32, #tpu.memory_space<vmem>>, vector<16xi32>,
    %shift_right_logical3A_89 = arith.constant 1 : i32
    %shift_right_logical3A_90 = vector.broadcast %shift_right_logical3A_89 : i32 to vector<16xi32>
    %shift_right_logical3A_91 = arith.shrui %get3A_88, %shift_right_logical3A_90 : vector<16xi32>
    %mul3A_92 = arith.constant 16 : i32
    %mul3A_93 = arith.muli %scan3A_84, %mul3A_92 : i32
    %swap3A_94 = arith.index_cast %mul3A_93 : i32 to index
    %swap3A_95 = tpu.vector_load %arg7[%swap3A_94] {strides = array<i32>} : memref<128xi32, #tpu.memory_space<vmem>>, vector<16xi32>,
    tpu.vector_store %arg7[%swap3A_94], %shift_right_logical3A_91 {strides = array<i32>} : memref<128xi32, #tpu.memory_space<vmem>>, vector<16xi32>,
    %scan3A_96 = arith.constant 8 : i32
    %dma_start3A = arith.constant 0 : i32
    %dma_start3A_97 = arith.constant 0 : i32
    %dma_start3A_98 = tpu.memref_slice %arg4[%dma_start3A, %dma_start3A_97] : memref<50000x128xf32, #tpu.memory_space<hbm>> -> memref<50000x128xf32, #tpu.memory_space<hbm>>
    tpu.enqueue_indirect_dma source(%dma_start3A_98 : memref<50000x128xf32, #tpu.memory_space<hbm>>) target(%arg8 : memref<128x128xf32, #tpu.memory_space<vmem>>) offsets(%arg7 : memref<128xi32, #tpu.memory_space<vmem>>) semaphore(%arg11 : memref<!tpu.dma_semaphore, #tpu.memory_space<semaphore_mem>>)
    "tpu.region"() ({
      %run_scoped3A = tpu.sem_alloc : memref<!tpu.dma_semaphore, #tpu.memory_space<semaphore_mem>>
      %dma_start3A_119 = arith.constant 0 : i32
      %dma_start3A_120 = tpu.memref_slice %arg2[%mul3A_2, %dma_start3A_119] : memref<4096x64xf32, #tpu.memory_space<hbm>> -> memref<128x64xf32, #tpu.memory_space<hbm>>
      %dma_start3A_121 = arith.constant 0 : i32
      %dma_start3A_122 = tpu.memref_slice %arg2[%mul3A_2, %dma_start3A_121] : memref<4096x64xf32, #tpu.memory_space<hbm>> -> memref<128x64xf32, #tpu.memory_space<hbm>>
      tpu.enqueue_dma source(%dma_start3A_122 : memref<128x64xf32, #tpu.memory_space<hbm>>) target(%arg9 : memref<128x64xf32, #tpu.memory_space<vmem>>) target_semaphore(%run_scoped3A : memref<!tpu.dma_semaphore, #tpu.memory_space<semaphore_mem>>)
      %dma_wait3A_123 = arith.constant 0 : i32
      %dma_wait3A_124 = tpu.memref_slice %arg2[%mul3A_2, %dma_wait3A_123] : memref<4096x64xf32, #tpu.memory_space<hbm>> -> memref<128x64xf32, #tpu.memory_space<hbm>>
      %dma_wait3A_125 = arith.constant 0 : i32
      %dma_wait3A_126 = tpu.memref_slice %arg2[%mul3A_2, %dma_wait3A_125] : memref<4096x64xf32, #tpu.memory_space<hbm>> -> memref<128x64xf32, #tpu.memory_space<hbm>>
      tpu.wait_dma2 semaphore(%run_scoped3A : memref<!tpu.dma_semaphore, #tpu.memory_space<semaphore_mem>>) src(%dma_wait3A_126 : memref<128x64xf32, #tpu.memory_space<hbm>>) dst(%arg9 : memref<128x64xf32, #tpu.memory_space<vmem>>)
      tpu.yield
    }) : () -> ()
    %dma_wait3A = arith.constant 0 : i32
    %dma_wait3A_99 = arith.constant 0 : i32
    %dma_wait3A_100 = tpu.memref_slice %arg4[%dma_wait3A, %dma_wait3A_99] : memref<50000x128xf32, #tpu.memory_space<hbm>> -> memref<50000x128xf32, #tpu.memory_space<hbm>>
    tpu.wait_indirect_dma semaphore(%arg11 : memref<!tpu.dma_semaphore, #tpu.memory_space<semaphore_mem>>) src(%dma_wait3A_100 : memref<50000x128xf32, #tpu.memory_space<hbm>>) dst(%arg8 : memref<128x128xf32, #tpu.memory_space<vmem>>)
    %iota3A = tpu.iota {dimensions = array<i32: 0>} : vector<16xi32>
    %add3A_101 = arith.constant 0 : i32
    %add3A_102 = vector.broadcast %add3A_101 : i32 to vector<16xi32>
    %add3A_103 = arith.addi %add3A_102, %iota3A : vector<16xi32>
    %add3A_104 = arith.constant 16 : i32
    %add3A_105 = vector.broadcast %add3A_104 : i32 to vector<16xi32>
    %add3A_106 = arith.addi %add3A_105, %iota3A : vector<16xi32>
    %add3A_107 = arith.constant 32 : i32
    %add3A_108 = vector.broadcast %add3A_107 : i32 to vector<16xi32>
    %add3A_109 = arith.addi %add3A_108, %iota3A : vector<16xi32>
    %add3A_110 = arith.constant 48 : i32
    %add3A_111 = vector.broadcast %add3A_110 : i32 to vector<16xi32>
    %add3A_112 = arith.addi %add3A_111, %iota3A : vector<16xi32>
    %scan3A_113 = arith.constant 0 : i32
    %scan3A_114 = arith.constant 0 : i32
    %scan3A_115 = arith.constant 128 : i32
    %scan3A_116 = arith.addi %scan3A_114, %scan3A_115 : i32
    %scan3A_117 = arith.constant 1 : i32
    scf.for %scan3A_119 = %scan3A_114 to %scan3A_116 step %scan3A_117  : i32 {
      %broadcast_in_dim3A = vector.broadcast %scan3A_119 : i32 to vector<16xi32>
      %gather3A = tpu.vector_load_idx %arg6[%broadcast_in_dim3A] : memref<128xi32, #tpu.memory_space<vmem>>[vector<16xi32>], vector<16xi32>,
      %and3A = arith.constant 1 : i32
      %and3A_120 = vector.broadcast %and3A : i32 to vector<16xi32>
      %and3A_121 = arith.andi %gather3A, %and3A_120 : vector<16xi32>
      %shift_left3A = arith.constant 6 : i32
      %shift_left3A_122 = vector.broadcast %shift_left3A : i32 to vector<16xi32>
      %shift_left3A_123 = arith.shli %and3A_121, %shift_left3A_122 : vector<16xi32>
      %add3A_124 = arith.addi %shift_left3A_123, %add3A_103 : vector<16xi32>
      %gather3A_125 = tpu.vector_load_idx %arg8[%broadcast_in_dim3A, %add3A_124] : memref<128x128xf32, #tpu.memory_space<vmem>>[vector<16xi32>, vector<16xi32>], vector<16xf32>,
      %swap3A_126 = arith.index_cast %scan3A_119 : i32 to index
      %swap3A_127 = arith.constant 0 : index
      %swap3A_128 = tpu.vector_load %arg10[%swap3A_126, %swap3A_127] {strides = array<i32>} : memref<128x128xf32, #tpu.memory_space<vmem>>, vector<16xf32>,
      tpu.vector_store %arg10[%swap3A_126, %swap3A_127], %gather3A_125 {strides = array<i32>} : memref<128x128xf32, #tpu.memory_space<vmem>>, vector<16xf32>,
      %get3A_129 = arith.index_cast %scan3A_119 : i32 to index
      %get3A_130 = arith.constant 0 : index
      %get3A_131 = tpu.vector_load %arg9[%get3A_129, %get3A_130] {strides = array<i32>} : memref<128x64xf32, #tpu.memory_space<vmem>>, vector<16xf32>,
      %swap3A_132 = arith.index_cast %scan3A_119 : i32 to index
      %swap3A_133 = arith.constant 64 : index
      %swap3A_134 = tpu.vector_load %arg10[%swap3A_132, %swap3A_133] {strides = array<i32>} : memref<128x128xf32, #tpu.memory_space<vmem>>, vector<16xf32>,
      tpu.vector_store %arg10[%swap3A_132, %swap3A_133], %get3A_131 {strides = array<i32>} : memref<128x128xf32, #tpu.memory_space<vmem>>, vector<16xf32>,
      %add3A_135 = arith.addi %shift_left3A_123, %add3A_106 : vector<16xi32>
      %gather3A_136 = tpu.vector_load_idx %arg8[%broadcast_in_dim3A, %add3A_135] : memref<128x128xf32, #tpu.memory_space<vmem>>[vector<16xi32>, vector<16xi32>], vector<16xf32>,
      %swap3A_137 = arith.index_cast %scan3A_119 : i32 to index
      %swap3A_138 = arith.constant 16 : index
      %swap3A_139 = tpu.vector_load %arg10[%swap3A_137, %swap3A_138] {strides = array<i32>} : memref<128x128xf32, #tpu.memory_space<vmem>>, vector<16xf32>,
      tpu.vector_store %arg10[%swap3A_137, %swap3A_138], %gather3A_136 {strides = array<i32>} : memref<128x128xf32, #tpu.memory_space<vmem>>, vector<16xf32>,
      %get3A_140 = arith.index_cast %scan3A_119 : i32 to index
      %get3A_141 = arith.constant 16 : index
      %get3A_142 = tpu.vector_load %arg9[%get3A_140, %get3A_141] {strides = array<i32>} : memref<128x64xf32, #tpu.memory_space<vmem>>, vector<16xf32>,
      %swap3A_143 = arith.index_cast %scan3A_119 : i32 to index
      %swap3A_144 = arith.constant 80 : index
      %swap3A_145 = tpu.vector_load %arg10[%swap3A_143, %swap3A_144] {strides = array<i32>} : memref<128x128xf32, #tpu.memory_space<vmem>>, vector<16xf32>,
      tpu.vector_store %arg10[%swap3A_143, %swap3A_144], %get3A_142 {strides = array<i32>} : memref<128x128xf32, #tpu.memory_space<vmem>>, vector<16xf32>,
      %add3A_146 = arith.addi %shift_left3A_123, %add3A_109 : vector<16xi32>
      %gather3A_147 = tpu.vector_load_idx %arg8[%broadcast_in_dim3A, %add3A_146] : memref<128x128xf32, #tpu.memory_space<vmem>>[vector<16xi32>, vector<16xi32>], vector<16xf32>,
      %swap3A_148 = arith.index_cast %scan3A_119 : i32 to index
      %swap3A_149 = arith.constant 32 : index
      %swap3A_150 = tpu.vector_load %arg10[%swap3A_148, %swap3A_149] {strides = array<i32>} : memref<128x128xf32, #tpu.memory_space<vmem>>, vector<16xf32>,
      tpu.vector_store %arg10[%swap3A_148, %swap3A_149], %gather3A_147 {strides = array<i32>} : memref<128x128xf32, #tpu.memory_space<vmem>>, vector<16xf32>,
      %get3A_151 = arith.index_cast %scan3A_119 : i32 to index
      %get3A_152 = arith.constant 32 : index
      %get3A_153 = tpu.vector_load %arg9[%get3A_151, %get3A_152] {strides = array<i32>} : memref<128x64xf32, #tpu.memory_space<vmem>>, vector<16xf32>,
      %swap3A_154 = arith.index_cast %scan3A_119 : i32 to index
      %swap3A_155 = arith.constant 96 : index
      %swap3A_156 = tpu.vector_load %arg10[%swap3A_154, %swap3A_155] {strides = array<i32>} : memref<128x128xf32, #tpu.memory_space<vmem>>, vector<16xf32>,
      tpu.vector_store %arg10[%swap3A_154, %swap3A_155], %get3A_153 {strides = array<i32>} : memref<128x128xf32, #tpu.memory_space<vmem>>, vector<16xf32>,
      %add3A_157 = arith.addi %shift_left3A_123, %add3A_112 : vector<16xi32>
      %gather3A_158 = tpu.vector_load_idx %arg8[%broadcast_in_dim3A, %add3A_157] : memref<128x128xf32, #tpu.memory_space<vmem>>[vector<16xi32>, vector<16xi32>], vector<16xf32>,
      %swap3A_159 = arith.index_cast %scan3A_119 : i32 to index
      %swap3A_160 = arith.constant 48 : index
      %swap3A_161 = tpu.vector_load %arg10[%swap3A_159, %swap3A_160] {strides = array<i32>} : memref<128x128xf32, #tpu.memory_space<vmem>>, vector<16xf32>,
      tpu.vector_store %arg10[%swap3A_159, %swap3A_160], %gather3A_158 {strides = array<i32>} : memref<128x128xf32, #tpu.memory_space<vmem>>, vector<16xf32>,
      %get3A_162 = arith.index_cast %scan3A_119 : i32 to index
      %get3A_163 = arith.constant 48 : index
      %get3A_164 = tpu.vector_load %arg9[%get3A_162, %get3A_163] {strides = array<i32>} : memref<128x64xf32, #tpu.memory_space<vmem>>, vector<16xf32>,
      %swap3A_165 = arith.index_cast %scan3A_119 : i32 to index
      %swap3A_166 = arith.constant 112 : index
      %swap3A_167 = tpu.vector_load %arg10[%swap3A_165, %swap3A_166] {strides = array<i32>} : memref<128x128xf32, #tpu.memory_space<vmem>>, vector<16xf32>,
      tpu.vector_store %arg10[%swap3A_165, %swap3A_166], %get3A_164 {strides = array<i32>} : memref<128x128xf32, #tpu.memory_space<vmem>>, vector<16xf32>,
    }
    %scan3A_118 = arith.constant 128 : i32
    "tpu.region"() ({
      %run_scoped3A = tpu.sem_alloc : memref<!tpu.dma_semaphore, #tpu.memory_space<semaphore_mem>>
      %dma_start3A_119 = arith.constant 0 : i32
      %dma_start3A_120 = tpu.memref_slice %arg5[%mul3A_2, %dma_start3A_119] : memref<4096x128xf32, #tpu.memory_space<hbm>> -> memref<128x128xf32, #tpu.memory_space<hbm>>
      %dma_start3A_121 = arith.constant 0 : i32
      %dma_start3A_122 = tpu.memref_slice %arg5[%mul3A_2, %dma_start3A_121] : memref<4096x128xf32, #tpu.memory_space<hbm>> -> memref<128x128xf32, #tpu.memory_space<hbm>>
      tpu.enqueue_dma source(%arg10 : memref<128x128xf32, #tpu.memory_space<vmem>>) target(%dma_start3A_122 : memref<128x128xf32, #tpu.memory_space<hbm>>) target_semaphore(%run_scoped3A : memref<!tpu.dma_semaphore, #tpu.memory_space<semaphore_mem>>)
      %dma_wait3A_123 = arith.constant 0 : i32
      %dma_wait3A_124 = tpu.memref_slice %arg5[%mul3A_2, %dma_wait3A_123] : memref<4096x128xf32, #tpu.memory_space<hbm>> -> memref<128x128xf32, #tpu.memory_space<hbm>>
      %dma_wait3A_125 = arith.constant 0 : i32
      %dma_wait3A_126 = tpu.memref_slice %arg5[%mul3A_2, %dma_wait3A_125] : memref<4096x128xf32, #tpu.memory_space<hbm>> -> memref<128x128xf32, #tpu.memory_space<hbm>>
      tpu.wait_dma2 semaphore(%run_scoped3A : memref<!tpu.dma_semaphore, #tpu.memory_space<semaphore_mem>>) src(%arg10 : memref<128x128xf32, #tpu.memory_space<vmem>>) dst(%dma_wait3A_126 : memref<128x128xf32, #tpu.memory_space<hbm>>)
      tpu.yield
    }) : () -> ()
    return
  }
}

</mosaic_0001>

<sc_bundles>
// kernel: _embed_concat.3.cloned.1.call-start
scs
__scs_entry_jumppad:
0x0: {  	(pc) =	sbr.rel $0x88, $3  }
0x1: {  	(tag) =	ssettag $0x0;
	lr =	simm.s32 $0x1  }
0x2: {  	[smem:$0x3F9E] =	sst lr;
	_ =	strace $0xD0000000  }
0x3: {  	_ = 	snop  }
0x4: {  	_ = 	snop  }
0x5: {  	_ = 	snop  }
0x6: {  	_ = 	snop  }
0x7: {  	_ = 	snop  }
__scs_overlays_trampoline_lowered:
0x8: {  	[smem:$0x3FAD] =	sst s0  }
0x9: {  	[smem:$0x3FAE] =	sst s1  }
0xa: {  	[smem:$0x3FAF] =	sst s2  }
0xb: {  	[smem:$0x3FB0] =	sst s3  }
0xc: {  	[smem:$0x3FB1] =	sst s4  }
0xd: {  	[smem:$0x3FB2] =	sst s5  }
0xe: {  	[smem:$0x3FB3] =	sst s6  }
0xf: {  	[smem:$0x3FB4] =	sst s7  }
0x10: {  	[smem:$0x3FB5] =	sst s8  }
0x11: {  	[smem:$0x3FB6] =	sst s9;
	s0 =	simm.s32 @!p0 $0x0  }
0x12: {  	s1 =	sld [smem:$0x3F9C];
	s0 =	simm.s32 @p0 $0x1  }
0x13: {  	[smem:$0x3FB7] =	sst s0;
	s0 =	simm.s32 @!p1 $0x0  }
0x14: {  	s2 =	sld [smem:$0x3F9B];
	s0 =	simm.s32 @p1 $0x1  }
0x15: {  	[smem:$0x3FB8] =	sst s0;
	s0 =	simm.s32 @!p2 $0x0  }
0x16: {  	s3 =	sld [smem:$0x3FDB];
	s0 =	simm.s32 @p2 $0x1  }
0x17: {  	s4 =	simm.s32 $0x1BF5;
	[smem:$0x3FBA] =	sst s0  }
0x18: {  	s0 =	sld [smem:$0x3F9D];
	_ =	swait.ge [sflag:s4], $0x0  }
0x19: {  	s7 =	sld [smem:$0x3F9E]  }
0x1a: {  	s8 =	sadd.s32 $0xFFFFE003, lr  }
0x1b: {  	s9 =	sadd.s32 $0xFFFFFEF7, lr;
	s5 =	simm.s32 $0xFFFFFFFF;
	p2 =	slt.u32 s8, $0xFFFFF086  }
0x1c: {  	p1 =	slt.u32 s9, $0xF7A;
	s5 =	simm.s32 @!p2 $0x0  }
0x1d: {  	s5 =	simm.s32 @p1 $0x1;
	p0 =	seq.s32 s7, s2  }
0x1e: {  	s7 =	smul.u32 @!p0 $0xF7A, s2;
	p2 =	seq.s32 @!p0 s5, $0x0  }
0x1f: {  	s9 =	smul.u32 $0xF7A, s1;
	s8 =	simm.s32 @!p0 $0x1BF5;
	p2 =	por !p2, p0  }
0x20: {  	[sflag:s8] =	ssyncset.s32 @!p0 $0xFFFFF086;
	s6 =	sadd.s32 @!p0 s3, s7;
	s7 =	simm.s32 @!p0 $0x108  }
0x21: {  	s3 =	sadd.s32 s3, s9;
	s6 =	sadd.s32 @!p0 $0x88, s6;
	s7 =	simm.s32 @p2 $0x1082  }
0x22: {  	[simem:s7], [sflag:s8] =	dma.local @!p0 [hbm:s6], $0xF7A  }
0x23: {  	s9 =	sor.u32 $0xD0000000, s2;
	s6 =	simm.s32 $0x108;
	_ =	swait.ge @!p0 [sflag:s8], $0x0  }
0x24: {  	s3 =	sadd.s32 $0x88, s3;
	s6 =	simm.s32 @!p1 $0x1082;
	[sflag:s4] =	ssyncset.s32 $0xFFFFF086  }
0x25: {  	[simem:s6], [sflag:s4] =	dma.local [hbm:s3], $0xF7A  }
0x26: {  	[smem:$0x3F9E] =	sst s1;
	(tag) =	ssettag s2;
	_ =	strace s9  }
0x27: {  	s1 =	sld [smem:$0x3FAE]  }
0x28: {  	s2 =	sld [smem:$0x3FAF]  }
0x29: {  	s4 =	sld [smem:$0x3FB1]  }
0x2a: {  	p0 =	seq.s32 s5, $0x0;
	s5 =	sld [smem:$0x3FB2]  }
0x2b: {  	s6 =	sld [smem:$0x3FB3]  }
0x2c: {  	s7 =	sld [smem:$0x3FB4]  }
0x2d: {  	s3 =	simm.s32 $0x108;
	s8 =	sld [smem:$0x3FB5]  }
0x2e: {  	s3 =	simm.s32 @!p0 $0x1082;
	s9 =	sld [smem:$0x3FB6]  }
0x2f: {  	lr =	sadd.s32 s0, s3;
	s0 =	sld [smem:$0x3FAD]  }
0x30: {  	s3 =	sld [smem:$0x3FB0]  }
0x31: {  	[smem:$0x3FB9] =	sst s10  }
0x32: {  	s10 =	sld [smem:$0x3FB7];
	_ =	sdelay $0x3  }
0x33: {  	p0 =	seq.s32 s10, $0x1;
	s10 =	sld [smem:$0x3FB9];
	_ =	sdelay $0x3  }
0x34: {  	[smem:$0x3FB9] =	sst s10  }
0x35: {  	s10 =	sld [smem:$0x3FB8];
	_ =	sdelay $0x3  }
0x36: {  	p1 =	seq.s32 s10, $0x1;
	s10 =	sld [smem:$0x3FB9];
	_ =	sdelay $0x3  }
0x37: {  	[smem:$0x3FB9] =	sst s10  }
0x38: {  	s10 =	sld [smem:$0x3FBA]  }
0x39: {  	_ = 	snop;
	(pc) =	sbr.ind lr, $3  }
0x3a: {  	_ = 	snop  }
0x3b: {  	_ = 	snop  }
0x3c: {  	p2 =	seq.s32 s10, $0x1;
	s10 =	sld [smem:$0x3FB9]  }
0x3d: {  	_ =	shalt  }
0x3e: {  	_ =	shalt  }
0x3f: {  	_ =	shalt  }
0x40: {  	_ =	shalt  }
0x41: {  	_ =	shalt  }
0x42: {  	_ =	shalt  }
0x43: {  	_ =	shalt  }
0x44: {  	_ =	shalt  }
0x45: {  	_ =	shalt  }
0x46: {  	_ =	shalt  }
0x47: {  	_ =	shalt  }
0x48: {  	_ =	shalt  }
0x49: {  	_ =	shalt  }
0x4a: {  	_ =	shalt  }
0x4b: {  	_ =	shalt  }
0x4c: {  	_ =	shalt  }
0x4d: {  	_ =	shalt  }
0x4e: {  	_ =	shalt  }
0x4f: {  	_ =	shalt  }
0x50: {  	_ =	shalt  }
0x51: {  	_ =	shalt  }
0x52: {  	_ =	shalt  }
0x53: {  	_ =	shalt  }
0x54: {  	_ =	shalt  }
0x55: {  	_ =	shalt  }
0x56: {  	_ =	shalt  }
0x57: {  	_ =	shalt  }
0x58: {  	_ =	shalt  }
0x59: {  	_ =	shalt  }
0x5a: {  	_ =	shalt  }
0x5b: {  	_ =	shalt  }
0x5c: {  	_ =	shalt  }
0x5d: {  	_ =	shalt  }
0x5e: {  	_ =	shalt  }
0x5f: {  	_ =	shalt  }
0x60: {  	_ =	shalt  }
0x61: {  	_ =	shalt  }
0x62: {  	_ =	shalt  }
0x63: {  	_ =	shalt  }
0x64: {  	_ =	shalt  }
0x65: {  	_ =	shalt  }
0x66: {  	_ =	shalt  }
0x67: {  	_ =	shalt  }
0x68: {  	_ =	shalt  }
0x69: {  	_ =	shalt  }
0x6a: {  	_ =	shalt  }
0x6b: {  	_ =	shalt  }
0x6c: {  	_ =	shalt  }
0x6d: {  	_ =	shalt  }
0x6e: {  	_ =	shalt  }
0x6f: {  	_ =	shalt  }
0x70: {  	_ =	shalt  }
0x71: {  	_ =	shalt  }
0x72: {  	_ =	shalt  }
0x73: {  	_ =	shalt  }
0x74: {  	_ =	shalt  }
0x75: {  	_ =	shalt  }
0x76: {  	_ =	shalt  }
0x77: {  	_ =	shalt  }
0x78: {  	_ =	shalt  }
0x79: {  	_ =	shalt  }
0x7a: {  	_ =	shalt  }
0x7b: {  	_ =	shalt  }
0x7c: {  	_ =	shalt  }
0x7d: {  	_ =	shalt  }
0x7e: {  	_ =	shalt  }
0x7f: {  	_ =	shalt  }
0x80: {  	_ =	shalt  }
0x81: {  	_ =	shalt  }
0x82: {  	_ =	shalt  }
0x83: {  	_ =	shalt  }
0x84: {  	_ =	shalt  }
0x85: {  	_ =	shalt  }
0x86: {  	_ =	shalt  }
0x87: {  	_ =	shalt  }
.Lfunc_end0:
.L_simem_size_0:
called_computation_lowered:
.L_overlay_start_0:
0x88: {  	s2 =	sld [smem:$0x3FD9]  }
0x89: {  	s3 =	sld [smem:$0x3FFE];
	_ =	sdelay $0x1  }
0x8a: {  	s1 =	srdreg.scid  }
0x8b: {  	s0 =	sand.u32 $0x1, s1  }
0x8c: {  	s17 =	sshll.u32 s0, $0xA;
	s2 =	sadd.s32 s3, s2  }
0x8d: {  	s2 =	sadd.s32 s2, s17  }
0x8e: {  	[smem:$0x3FC5] =	sst s2  }
0x8f: {  	_ = 	snop  }
0x90: {  	s2 =	sld [smem:$0x3FC8]  }
0x91: {  	s18 =	sld [smem:$0x3FD0];
	(tm) =	ssettm $0x1  }
0x92: {  	s4 =	sld [smem:$0x3FFB];
	_ =	sdelay $0x3  }
0x93: {  	_ =	strace s4  }
0x94: {  	s4 =	sld [smem:$0x3FFC];
	_ =	sdelay $0x3  }
0x95: {  	_ =	strace s4  }
0x96: {  	s4 =	sld [smem:$0x3FFD];
	_ =	sdelay $0x3  }
0x97: {  	_ =	strace s4  }
0x98: {  	_ =	strace $0x8FFFFFFF  }
0x99: {  	s19 =	sld [smem:$0x3FDB];
	_ =	sdelay $0x1  }
0x9a: {  	s5 =	simm.s32 $_scs_section_size  }
0x9b: {  	s6 =	simm.s32 $_size__tile_overlayer_lowered;
	s7 =	simm.s32 $_tile_overlayer_lowered  }
0x9c: {  	s22 =	simm.s32 $0x1BFF;
	s21 =	sshll.u32 s7, $0x1;
	s4 =	sadd.s32 s5, s19  }
0x9d: {  	s8 =	simm.s32 $0x0;
	s20 =	sshll.u32 s6, $0x1;
	s6 =	sadd.s32 s21, s4  }
0x9e: {  	[timem:s8], [sflag:s22] =	dma.local [hbm:s6], s20  }
0x9f: {  	_ =	swait.ge [sflag:s22], s20  }
0xa0: {  	s5 =	ssub.s32 $0x0, s20;
	[sflag:s22] =	ssyncset.done $0x0  }
0xa1: {  	[sflag:s22] =	ssyncadd.s32 s5;
	_ =	sdelay $0x1  }
0xa2: {  	s23 =	simm.s32 $0x1B8B  }
0xa3: {  	_ =	swait.ge [sflag:s23], $0x1  }
0xa4: {  	[sflag:s23] =	ssyncset.done $0x0  }
0xa5: {  	s25 =	simm.s32 $0x1B8E;
	s24 =	sld [smem:$0x3FFE];
	[sflag:s23] =	ssyncadd.s32 $0xFFFFFFFF  }
0xa6: {  	s26 =	simm.s32 $execute0_lowered;
	[smem:$0x3FD2] =	sst s25  }
0xa7: {  	s6 =	sshll.u32 s26, $0x1;
	_ =	strace $0x80000046;
	[dreg:$0x1] =	wrdreg $0xFFFFFFFF  }
0xa8: {  	s28 =	simm.s32 $_size_execute0_lowered;
	s4 =	sadd.s32 s4, s6;
	[dreg:$0x0] =	wrdreg $0x0  }
0xa9: {  	s6 =	sshll.u32 s28, $0x1;
	[dreg:$0x2] =	wrdreg s4  }
0xaa: {  	[dreg:$0x3] =	wrdreg s6  }
0xab: {  	[dreg:$0x4] =	wrdreg $0xC0  }
0xac: {  	_ =	task [dreg:s8], $0x5FFFF  }
0xad: {  	[dreg:$0x1] =	wrdreg $0xFFFFFFFF  }
0xae: {  	[dreg:$0x0] =	wrdreg $0x60  }
0xaf: {  	[dreg:$0x2] =	wrdreg s24  }
0xb0: {  	[dreg:$0x3] =	wrdreg s2  }
0xb1: {  	[dreg:$0x4] =	wrdreg s18  }
0xb2: {  	[dreg:$0x5] =	wrdreg $0x9  }
0xb3: {  	_ =	task.clear_ibuf [dreg:s8], $0x6FFFF;
	_ =	strace $0x90000046  }
0xb4: {  	s29 =	simm.s32 $0x9;
	_ =	strace $0x80000048  }
0xb5: {  	_ =	swait.ge [sflag:s29], $0x1  }
0xb6: {  	[sflag:s29] =	ssyncadd.s32 $0xFFFFFFFF  }
0xb7: {  	_ =	strace $0x90000048  }
0xb8: {  	_ =	sfence  }
0xb9: {  	s30 =	sld [smem:$0x0];
	_ =	sdelay $0x2  }
0xba: {  	s31 =	sshll.u32 s1, $0xD;
	s1 =	sshrl.u32 s1, $0x2  }
0xbb: {  	s3 =	sand.u32 $0x4000, s31;
	s1 =	sadd.s32 s1, s30  }
0xbc: {  	s0 =	sor.u32 s3, s0;
	s1 =	sshll.u32 s1, $0x11  }
0xbd: {  	s0 =	sor.u32 s1, s0  }
0xbe: {  	s0 =	sadd.s32 $0x8F2B, s0  }
0xbf: {  	[sflag:s0] =	ssyncadd.remote.s32 $0x1  }
0xc0: {  	_ =	sfence.sel $0xFFFF  }
0xc1: {  	[dreg:$0x0] =	wrdreg $0xFFFFFFFF;
	(pc) =	sbr.abs _section_cstart, $3  }
0xc2: {  	[dreg:$0x1] =	wrdreg $0xFFFFFFFF  }
0xc3: {  	_ =	task.clear_ibuf [dreg:s8], $0x2FFFF;
	_ =	strace $0x9FFFFFFF  }
0xc4: {  	(tm) =	ssettm $0x7FFFFFFF  }
0xc5: {  	_ =	shalt  }
tec
execute0_lowered:
.L_overlay_start_1:
0x0: {  	(tag) =	ssettag $0x1  }
0x1: {  	s3 =	rddreg [dreg:$0x0];
	s1 =	srdreg.scid  }
0x2: {  	s4 =	rddreg [dreg:$0x1];
	s0 =	stileid.u32  }
0x3: {  	s6 =	rddreg [dreg:$0x2];
	s2 =	simm.s32 $0x0;
	s11 =	simm.s32 $0x4100  }
0x4: {  	s12 =	simm.s32 $0x1;
	s13 =	simm.s32 $0x8100;
	s14 =	simm.s32 $0x0  }
0x5: {  	s5 =	sand.u32 $0x1, s1;
	s7 =	sshll.u32 s0, $0x8;
	s1 =	rddreg [dreg:$0x3]  }
0x6: {  	[smem:$0x7FF] =	sst s2;
	s8 =	sshll.u32 s5, $0x7;
	s5 =	ssub.s32 $0x2, s5  }
0x7: {  	_ =	strace $0x80000047;
	s7 =	sor.u32 s8, s7;
	s10 =	sshrl.u32 s5, $0x1  }
0x8: {  	s8 =	sshll.u32 s7, $0x4;
	s7 =	sshrl.u32 s7, $0x3;
	s10 =	ssub.s32 s5, s10  }
0x9: {  	s9 =	sadd.s32 s8, s3;
	s3 =	sadd.s32 $0x187000, s3;
	s4 =	sadd.s32 s4, s7  }
0xa: {  	v0 =	vlaneseq.u32;
	s6 =	sadd.s32 s6, s8;
	s7 =	smax.u32 s10, $0x1;
	s8 =	simm.s32 $0x2  }
0xb: {  	v1 =	vor.u32 $0x10, v0;
	v2 =	vor.u32 $0x20, v0;
	v3 =	vor.u32 $0x30, v0;
	s10 =	simm.s32 $0x100;
	s5 =	sadd.s32 $0x600, s9;
	s9 =	simm.s32 $0x80  }
.LBB2_1:
0xc: {  	[tilespmem:s2], [sflag:$0x2] =	stream.linear.gather [hbm4b:s4+s2], $0x80, $0x38;
	[tilespmem:$0xC100] =	vst v63  }
0xd: {  	_ =	swait.ge [sflag:s8], $0x80  }
0xe: {  	[sflag:s8] =	ssyncset.done $0x0  }
0xf: {  	[sflag:s8] =	ssyncadd.s32 $0xFFFFFF80  }
0x10: {  	v4 =	vld [tilespmem:$0x0]  }
0x11: {  	v5 =	vld [tilespmem:$0x10]  }
0x12: {  	v6 =	vld [tilespmem:$0x20]  }
0x13: {  	v7 =	vld [tilespmem:$0x30]  }
0x14: {  	v8 =	vld [tilespmem:$0x40]  }
0x15: {  	v9 =	vld [tilespmem:$0x50];
	v4 =	vshrl.u32 v4, $0x1  }
0x16: {  	[tilespmem:$0x80] =	vst v4;
	v4 =	vshrl.u32 v5, $0x1;
	v5 =	vld [tilespmem:$0x60]  }
0x17: {  	[tilespmem:$0x90] =	vst v4;
	v4 =	vshrl.u32 v6, $0x1;
	v6 =	vld [tilespmem:$0x70]  }
0x18: {  	[tilespmem:$0xA0] =	vst v4;
	v4 =	vshrl.u32 v7, $0x1  }
0x19: {  	[tilespmem:$0xB0] =	vst v4;
	v4 =	vshrl.u32 v8, $0x1  }
0x1a: {  	[tilespmem:$0xC0] =	vst v4;
	v4 =	vshrl.u32 v9, $0x1  }
0x1b: {  	[tilespmem:$0xD0] =	vst v4;
	v4 =	vshrl.u32 v5, $0x1  }
0x1c: {  	[tilespmem:$0xE0] =	vst v4;
	v4 =	vshrl.u32 v6, $0x1  }
0x1d: {  	[tilespmem:$0xF0] =	vst v4  }
0x1e: {  	[tilespmem:s10], [sflag:$0x1] =	stream.indirect.gather [hbm4b:s3+s9], $0x80, s9, s9, $0xb8;
	[tilespmem:$0xC100] =	vst v63  }
0x1f: {  	_ = 	snop  }
0x20: {  	[tilespmem:s11], [sflag:$0x2] =	stream.linear.gather [hbm4b:s5+s2], $0x4000, $0x38;
	[tilespmem:$0xC100] =	vst v63  }
0x21: {  	_ =	swait.ge [sflag:s8], $0x4000  }
0x22: {  	v4 =	vmov s2;
	[sflag:s8] =	ssyncset.done $0x0  }
0x23: {  	[sflag:s8] =	ssyncadd.s32 $0xFFFFC000  }
0x24: {  	_ =	swait.ge [sflag:s12], $0x4000  }
0x25: {  	[sflag:s12] =	ssyncset.done $0x0  }
0x26: {  	[sflag:s12] =	ssyncadd.s32 $0xFFFFC000  }
0x27: {  	v5 =	vld.idx.msk [tilespmem:v4+s2+$0x0], $0xffff;
	_ =	sdelay $0x4  }
0x28: {  	v5 =	vshll.u32 v5, $0x6  }
0x29: {  	v4 =	vshll.u32 v4, $0x7;
	v5 =	vand.u32 $0x40, v5  }
0x2a: {  	v4 =	vor.u32 v4, v5  }
0x2b: {  	v5 =	vor.u32 v0, v4;
	_ =	sdelay $0x4  }
0x2c: {  	v5 =	vld.idx.msk [tilespmem:v5+s10+$0x0], $0xffff;
	_ =	sdelay $0x3  }
0x2d: {  	s16 =	simm.s32 $0x8140  }
0x2e: {  	s15 =	simm.s32 $0x4120;
	[tilespmem:s16+$0xFFFFFFC0] =	vst v5  }
0x2f: {  	v5 =	vld [tilespmem:s15+$0xFFFFFFE0]  }
0x30: {  	v6 =	vor.u32 v1, v4;
	_ =	sdelay $0x3  }
0x31: {  	[tilespmem:s16+$0x0] =	vst v5  }
0x32: {  	v5 =	vld.idx.msk [tilespmem:v6+s10+$0x0], $0xffff;
	_ =	sdelay $0x4  }
0x33: {  	[tilespmem:s16+$0xFFFFFFD0] =	vst v5  }
0x34: {  	v5 =	vld [tilespmem:s15+$0xFFFFFFF0]  }
0x35: {  	v6 =	vor.u32 v2, v4;
	_ =	sdelay $0x3  }
0x36: {  	[tilespmem:s16+$0x10] =	vst v5  }
0x37: {  	v5 =	vld.idx.msk [tilespmem:v6+s10+$0x0], $0xffff;
	_ =	sdelay $0x4  }
0x38: {  	[tilespmem:s16+$0xFFFFFFE0] =	vst v5  }
0x39: {  	v5 =	vld [tilespmem:s15+$0x0]  }
0x3a: {  	v4 =	vor.u32 v3, v4;
	_ =	sdelay $0x3  }
0x3b: {  	[tilespmem:s16+$0x20] =	vst v5  }
0x3c: {  	v4 =	vld.idx.msk [tilespmem:v4+s10+$0x0], $0xffff;
	_ =	sdelay $0x4  }
0x3d: {  	[tilespmem:s16+$0xFFFFFFF0] =	vst v4  }
0x3e: {  	s17 =	simm.s32 $0x1;
	v5 =	vld [tilespmem:s15+$0x10]  }
0x3f: {  	v4 =	vmov s17;
	s17 =	simm.s32 $0x2  }
.LBB2_2:
0x40: {  	p0 =	sne.s32 s17, $0x7F;
	_ =	sdelay $0x2  }
0x41: {  	[tilespmem:s16+$0x30] =	vst v5  }
0x42: {  	v5 =	vld.idx.msk [tilespmem:v4+s2+$0x0], $0xffff;
	_ =	sdelay $0x5  }
0x43: {  	v5 =	vshll.u32 v5, $0x6  }
0x44: {  	v4 =	vshll.u32 v4, $0x7;
	v5 =	vand.u32 $0x40, v5  }
0x45: {  	v4 =	vor.u32 v4, v5  }
0x46: {  	v5 =	vor.u32 v0, v4;
	v6 =	vor.u32 v1, v4;
	v7 =	vor.u32 v2, v4  }
0x47: {  	v4 =	vor.u32 v3, v4;
	_ =	sdelay $0x3  }
0x48: {  	v5 =	vld.idx.msk [tilespmem:v5+s10+$0x0], $0xffff;
	_ =	sdelay $0x4  }
0x49: {  	s16 =	sadd.s32 $0x80, s16  }
0x4a: {  	s15 =	sadd.s32 $0x80, s15;
	[tilespmem:s16+$0xFFFFFFC0] =	vst v5  }
0x4b: {  	v5 =	vld [tilespmem:s15+$0xFFFFFFE0];
	_ =	sdelay $0x4  }
0x4c: {  	[tilespmem:s16+$0x0] =	vst v5  }
0x4d: {  	v5 =	vld.idx.msk [tilespmem:v6+s10+$0x0], $0xffff;
	_ =	sdelay $0x5  }
0x4e: {  	[tilespmem:s16+$0xFFFFFFD0] =	vst v5  }
0x4f: {  	v5 =	vld [tilespmem:s15+$0xFFFFFFF0];
	_ =	sdelay $0x4  }
0x50: {  	[tilespmem:s16+$0x10] =	vst v5  }
0x51: {  	v5 =	vld.idx.msk [tilespmem:v7+s10+$0x0], $0xffff;
	_ =	sdelay $0x5  }
0x52: {  	[tilespmem:s16+$0xFFFFFFE0] =	vst v5  }
0x53: {  	v5 =	vld [tilespmem:s15+$0x0];
	_ =	sdelay $0x4  }
0x54: {  	[tilespmem:s16+$0x20] =	vst v5  }
0x55: {  	v4 =	vld.idx.msk [tilespmem:v4+s10+$0x0], $0xffff;
	_ =	sdelay $0x3  }
.Ltmp0:
0x56: {  	(pc) =	sbr.rel @p0 .LBB2_2-.Ltmp0, $4  }
0x57: {  	_ = 	snop  }
0x58: {  	[tilespmem:s16+$0xFFFFFFF0] =	vst v4  }
0x59: {  	v5 =	vld [tilespmem:s15+$0x10]  }
0x5a: {  	v4 =	vmov s17;
	s17 =	sadd.s32 $0x1, s17  }
0x5b: {  	_ =	sdelay $0x2  }
0x5c: {  	[tilespmem:s16+$0x30] =	vst v5  }
0x5d: {  	v5 =	vld.idx.msk [tilespmem:v4+s2+$0x0], $0xffff;
	_ =	sdelay $0x4  }
0x5e: {  	v5 =	vshll.u32 v5, $0x6  }
0x5f: {  	v4 =	vshll.u32 v4, $0x7;
	v5 =	vand.u32 $0x40, v5  }
0x60: {  	v4 =	vor.u32 v4, v5  }
0x61: {  	v5 =	vor.u32 v0, v4;
	_ =	sdelay $0x4  }
0x62: {  	v5 =	vld.idx.msk [tilespmem:v5+s10+$0x0], $0xffff;
	_ =	sdelay $0x3  }
0x63: {  	s31 =	sadd.s32 $0x80, s16  }
0x64: {  	s15 =	sadd.s32 $0x80, s15;
	[tilespmem:s31+$0xFFFFFFC0] =	vst v5  }
0x65: {  	v5 =	vld [tilespmem:s15+$0xFFFFFFE0]  }
0x66: {  	v6 =	vor.u32 v1, v4;
	_ =	sdelay $0x3  }
0x67: {  	[tilespmem:s31+$0x0] =	vst v5  }
0x68: {  	v5 =	vld.idx.msk [tilespmem:v6+s10+$0x0], $0xffff;
	_ =	sdelay $0x4  }
0x69: {  	[tilespmem:s31+$0xFFFFFFD0] =	vst v5  }
0x6a: {  	v5 =	vld [tilespmem:s15+$0xFFFFFFF0]  }
0x6b: {  	v63 =	vor.u32 v2, v4;
	_ =	sdelay $0x3  }
0x6c: {  	[tilespmem:s31+$0x10] =	vst v5  }
0x6d: {  	v5 =	vld.idx.msk [tilespmem:v63+s10+$0x0], $0xffff;
	_ =	sdelay $0x4  }
0x6e: {  	[tilespmem:s31+$0xFFFFFFE0] =	vst v5  }
0x6f: {  	v5 =	vld [tilespmem:s15+$0x0]  }
0x70: {  	v4 =	vor.u32 v3, v4;
	_ =	sdelay $0x3  }
0x71: {  	[tilespmem:s31+$0x20] =	vst v5  }
0x72: {  	v4 =	vld.idx.msk [tilespmem:v4+s10+$0x0], $0xffff;
	_ =	sdelay $0x4  }
0x73: {  	[tilespmem:s31+$0xFFFFFFF0] =	vst v4  }
0x74: {  	v4 =	vld [tilespmem:s15+$0x10];
	_ =	sdelay $0x2  }
0x75: {  	s14 =	sadd.s32 $0x1, s14  }
0x76: {  	p0 =	sne.s32 s14, s7  }
.Ltmp1:
0x77: {  	[tilespmem:s31+$0x30] =	vst v4;
	(pc) =	sbr.rel @p0 .LBB2_1-.Ltmp1, $4  }
0x78: {  	[hbm4b:s6+s2] =	stream.linear.scatter [tilespmem:s13], [sflag:$0x2], $0x4000, $0x38;
	[tilespmem:$0xC100] =	vst v63  }
0x79: {  	_ =	swait.ge [sflag:s8], $0x4000  }
0x7a: {  	[sflag:s8] =	ssyncset.done $0x0  }
0x7b: {  	[sflag:s8] =	ssyncadd.s32 $0xFFFFC000  }
0x7c: {  	_ =	sfence.sel $0x180000  }
0x7d: {  	[bflag:$0x0] =	sbarrier.arrive $0xFFFF  }
0x7e: {  	p0 =	sne.s32 s0, $0x0;
	_ =	strace $0x90000047  }
0x7f: {  	s0 =	sadd.s32 @!p0 $0x100000, s1;
	[bflag:$0x2] =	sbarrier.arrive $0xFFFF  }
0x80: {  	[sflag:s0] =	ssyncadd.tile.s32 @!p0 $0x1;
	_ =	shalt  }
.Lfunc_end2:
_tile_overlayer_lowered:
.L_overlay_start_2:
0x81: {  	(tag) =	ssettag $0x2  }
0x82: {  	s0 =	rddreg [dreg:$0x0];
	s2 =	stileid.u32  }
0x83: {  	s1 =	rddreg [dreg:$0x1];
	p0 =	sne.s32 s2, $0x0  }
0x84: {  	s3 =	rddreg [dreg:$0x2];
	[bflag:$0x3] =	sbarrier.arrive $0xFFFF;
	s2 =	simm.s32 @!p0 $0x1C02  }
0x85: {  	[timem:s3], [sflag:s2] =	dma.local @!p0 [hbm:s0], s1  }
0x86: {  	s0 =	simm.s32 @!p0 $0x2  }
0x87: {  	_ =	swait.ge @!p0 [sflag:s0], s1  }
0x88: {  	s1 =	ssub.s32 @!p0 $0x0, s1;
	[sflag:s0] =	ssyncset.done @!p0 $0x0  }
0x89: {  	[sflag:s0] =	ssyncadd.s32 @!p0 s1  }
0x8a: {  	[bflag:$0x3] =	sbarrier.arrive $0xFFFF  }
0x8b: {  	_ =	shalt  }

</sc_bundles>
